<compile_context>
chip_gen: v7x
topology: tpu7x:2x2x1
jax: 0.10.2.dev20260603
libtpu: 0.0.44.dev20260713+nightly
codegen_flags: <defaults>
</compile_context>

<pallas_src>
import functools

import jax
import jax.numpy as jnp
from jax import lax
from jax.experimental import pallas as pl
from jax.experimental.pallas import tpu as pltpu
from jax.experimental.pallas import tpu_sc as plsc

_NUM_EMB = 8192
_EMB_DIM = 32
_COMM_COST = 1.0
_BETA = 0.25

_R = 256
_KCH = 1024
_N = 16384
_NB = _N // _R

_SC_NC = 2
_SC_NS = 16
_SC_NW = _SC_NC * _SC_NS
_B_PER_W = _N // _SC_NW
_IDX_CH = 128
_N_CH = _B_PER_W // _IDX_CH


def _tc_body(xb2_ref, emb_ref, row2_ref, e2_ref, idx_ref, loss_ref):
    xb2 = xb2_ref[...]
    row2 = row2_ref[...]
    best_dist = jnp.full((1, _R), jnp.inf, dtype=jnp.float32)
    best_idx = jnp.zeros((1, _R), dtype=jnp.int32)
    for j in range(_NUM_EMB // _KCH):
        embj = emb_ref[j * _KCH:(j + 1) * _KCH, :]
        e2j = e2_ref[j * _KCH:(j + 1) * _KCH, 0:1]
        mmT = lax.dot_general(
            embj, xb2, (((1,), (1,)), ((), ())),
            preferred_element_type=jnp.float32)
        d2T = (e2j + row2) - mmT
        distT = jnp.sqrt(jnp.maximum(d2T, 0.0))
        lmin = jnp.min(distT, axis=0, keepdims=True)
        iota = lax.broadcasted_iota(jnp.int32, (_KCH, _R), 0)
        lidx = jnp.min(jnp.where(distT == lmin, iota, _KCH),
                       axis=0, keepdims=True) + j * _KCH
        upd = lmin < best_dist
        best_idx = jnp.where(upd, lidx, best_idx)
        best_dist = jnp.where(upd, lmin, best_dist)
    idx_ref[0, :, :] = best_idx

    @pl.when(pl.program_id(0) == 0)
    def _():
        loss_ref[...] = jnp.zeros_like(loss_ref)

    loss_ref[...] += jnp.sum(best_dist * best_dist).reshape(1, 1)


def _tc_argmin(xb2, emb_weight, row2, e2):
    return pl.pallas_call(
        _tc_body,
        grid=(_NB,),
        in_specs=[
            pl.BlockSpec((_R, _EMB_DIM), lambda i: (i, 0)),
            pl.BlockSpec((_NUM_EMB, _EMB_DIM), lambda i: (0, 0)),
            pl.BlockSpec((1, _R), lambda i: (0, i)),
            pl.BlockSpec((_NUM_EMB, 1), lambda i: (0, 0)),
        ],
        out_specs=[
            pl.BlockSpec((1, 1, _R), lambda i: (i, 0, 0)),
            pl.BlockSpec((1, 1), lambda i: (0, 0)),
        ],
        out_shape=[
            jax.ShapeDtypeStruct((_NB, 1, _R), jnp.int32),
            jax.ShapeDtypeStruct((1, 1), jnp.float32),
        ],
    )(xb2, emb_weight, row2, e2)


@functools.cache
def _make_sc_gather():
    @functools.partial(
        pl.kernel,
        out_type=jax.ShapeDtypeStruct((_N, _EMB_DIM), jnp.float32),
        mesh=plsc.VectorSubcoreMesh(core_axis_name="c", subcore_axis_name="s"),
        compiler_params=pltpu.CompilerParams(use_tc_tiling_on_sc=False),
        scratch_types=[
            pltpu.VMEM((_N_CH, _IDX_CH), jnp.int32),
            pltpu.VMEM((_B_PER_W, _EMB_DIM), jnp.float32),
            pltpu.SemaphoreType.DMA,
        ],
    )
    def _sc_gather(table_hbm, idx_hbm, out_hbm, idx_v, rows_v, sem):
        wid = lax.axis_index("s") * _SC_NC + lax.axis_index("c")
        pltpu.sync_copy(idx_hbm.at[wid], idx_v)
        copies = [
            pltpu.async_copy(
                table_hbm.at[idx_v.at[c]],
                rows_v.at[pl.ds(c * _IDX_CH, _IDX_CH)],
                sem,
            )
            for c in range(_N_CH)
        ]
        for cp in copies:
            cp.wait()
        pltpu.sync_copy(rows_v, out_hbm.at[pl.ds(wid * _B_PER_W, _B_PER_W)])

    return _sc_gather


def kernel(x, emb_weight):
    xp = jnp.transpose(x, (0, 2, 3, 1))
    xf = xp.reshape(-1, _EMB_DIM)
    xb2 = (2.0 * xf).astype(jnp.bfloat16)
    row2 = jnp.sum(xf ** 2, axis=1)[None, :]
    e2 = jnp.sum(emb_weight ** 2, axis=1)[:, None]

    idx3, loss_sum = _tc_argmin(xb2, emb_weight, row2, e2)
    idx = idx3.reshape(_SC_NW, _N_CH, _IDX_CH)

    q = _make_sc_gather()(emb_weight, idx)

    c_loss = loss_sum[0, 0] * ((1.0 + _COMM_COST * _BETA) / (_N * _EMB_DIM))
    quantized = xf + (q - xf)
    quantized = quantized.reshape(xp.shape)
    quantized = jnp.transpose(quantized, (0, 3, 1, 2))
    return (c_loss, quantized)

# --- scband reference (transcript-rebuilt; emitter-appended) ---
"""Pipeline reference for scband-quantizer-1365799600669 (READ-ONLY COPY).

The authoritative reference and input builder live on the scoring server;
editing this copy changes nothing except your own understanding.
"""

import jax, jax.numpy as jnp
import numpy as np

NUM_EMB = 8192
EMB_DIM = 32
COMM_COST = 1.0
BETA = 0.25


def setup_inputs(seed: int = 0) -> dict:
    key = jax.random.key(seed)
    k1, k2 = jax.random.split(key)
    x = jax.random.normal(k1, (16, 32, 32, 32), dtype=jnp.float32)
    emb_weight = jax.random.uniform(
        k2, (NUM_EMB, EMB_DIM), dtype=jnp.float32,
        minval=-1.0 / NUM_EMB, maxval=1.0 / NUM_EMB)
    return {"x": x, "emb_weight": emb_weight}


def reference(x, emb_weight):
    # x: [B, C, H, W] with C == EMB_DIM
    xp = jnp.transpose(x, (0, 2, 3, 1))  # [B, H, W, C]
    x_shape = xp.shape
    flatten = xp.reshape(-1, EMB_DIM)  # [N, D]
    # torch.cdist(p=2): pairwise Euclidean distances
    d2 = (jnp.sum(flatten ** 2, axis=1, keepdims=True)
          + jnp.sum(emb_weight ** 2, axis=1)[None, :]
          - 2.0 * flatten @ emb_weight.T)
    dist = jnp.sqrt(jnp.maximum(d2, 0.0))  # [N, K]
    encoding_indices = jnp.argmin(dist, axis=1)  # [N]
    quantized = jnp.take(emb_weight, encoding_indices, axis=0).reshape(x_shape)
    e_latent_loss = jnp.mean((jax.lax.stop_gradient(quantized) - xp) ** 2) * BETA
    q_latent_loss = jnp.mean((quantized - jax.lax.stop_gradient(xp)) ** 2)
    c_loss = q_latent_loss + COMM_COST * e_latent_loss
    quantized = xp + jax.lax.stop_gradient(quantized - xp)  # straight-through
    quantized = jnp.transpose(quantized, (0, 3, 1, 2))  # [B, C, H, W]
    return (c_loss, quantized)

if __name__ == "__main__":
    import jax
    _d = setup_inputs()
    print(jax.jit(kernel)(*tuple(_d.values())))

</pallas_src>

<mosaic_0001>
#map = affine_map<(d0, d1) -> (0, 0)>
#map1 = affine_map<(d0, d1) -> (0, 0, 0)>
module attributes {stable_mosaic.version = 14 : i64} {
  func.func @_sc_gather(%arg0: i32, %arg1: i32, %arg2: memref<8192x32xf32, #tpu.memory_space<hbm>>, %arg3: memref<32x4x128xi32, #tpu.memory_space<hbm>>, %arg4: memref<16384x32xf32, #tpu.memory_space<hbm>>, %arg5: memref<4x128xi32, #tpu.memory_space<vmem>>, %arg6: memref<512x32xf32, #tpu.memory_space<vmem>>, %arg7: memref<!tpu.dma_semaphore, #tpu.memory_space<semaphore_mem>>) attributes {dimension_semantics = [#tpu.dimension_semantics<core_parallel>, #tpu.dimension_semantics<subcore_parallel>], iteration_bounds = array<i64: 2, 16>, scalar_prefetch = 0 : i64, scratch_operands = 3 : i64, tpu.core_type = #tpu.core_type<sc_vector_subcore>, window_params = [{transform_indices = #map}, {transform_indices = #map1}, {transform_indices = #map}]} {
    %mul3A = arith.constant 2 : i32
    %mul3A_0 = arith.muli %arg1, %mul3A : i32
    %add3A = arith.addi %mul3A_0, %arg0 : i32
    "tpu.region"() ({
      %run_scoped3A = tpu.sem_alloc : memref<!tpu.dma_semaphore, #tpu.memory_space<semaphore_mem>>
      %dma_start3A_81 = arith.constant 0 : i32
      %dma_start3A_82 = arith.constant 0 : i32
      %dma_start3A_83 = tpu.memref_slice %arg3[%add3A, %dma_start3A_81, %dma_start3A_82] : memref<32x4x128xi32, #tpu.memory_space<hbm>> -> memref<1x4x128xi32, #tpu.memory_space<hbm>>
      %dma_start3A_84 = tpu.memref_squeeze %dma_start3A_83 : memref<1x4x128xi32, #tpu.memory_space<hbm>> -> memref<4x128xi32, #tpu.memory_space<hbm>>
      %dma_start3A_85 = arith.constant 0 : i32
      %dma_start3A_86 = arith.constant 0 : i32
      %dma_start3A_87 = tpu.memref_slice %arg3[%add3A, %dma_start3A_85, %dma_start3A_86] : memref<32x4x128xi32, #tpu.memory_space<hbm>> -> memref<1x4x128xi32, #tpu.memory_space<hbm>>
      %dma_start3A_88 = tpu.memref_squeeze %dma_start3A_87 : memref<1x4x128xi32, #tpu.memory_space<hbm>> -> memref<4x128xi32, #tpu.memory_space<hbm>>
      tpu.enqueue_dma source(%dma_start3A_88 : memref<4x128xi32, #tpu.memory_space<hbm>>) target(%arg5 : memref<4x128xi32, #tpu.memory_space<vmem>>) target_semaphore(%run_scoped3A : memref<!tpu.dma_semaphore, #tpu.memory_space<semaphore_mem>>)
      %dma_wait3A_89 = arith.constant 0 : i32
      %dma_wait3A_90 = arith.constant 0 : i32
      %dma_wait3A_91 = tpu.memref_slice %arg3[%add3A, %dma_wait3A_89, %dma_wait3A_90] : memref<32x4x128xi32, #tpu.memory_space<hbm>> -> memref<1x4x128xi32, #tpu.memory_space<hbm>>
      %dma_wait3A_92 = tpu.memref_squeeze %dma_wait3A_91 : memref<1x4x128xi32, #tpu.memory_space<hbm>> -> memref<4x128xi32, #tpu.memory_space<hbm>>
      %dma_wait3A_93 = arith.constant 0 : i32
      %dma_wait3A_94 = arith.constant 0 : i32
      %dma_wait3A_95 = tpu.memref_slice %arg3[%add3A, %dma_wait3A_93, %dma_wait3A_94] : memref<32x4x128xi32, #tpu.memory_space<hbm>> -> memref<1x4x128xi32, #tpu.memory_space<hbm>>
      %dma_wait3A_96 = tpu.memref_squeeze %dma_wait3A_95 : memref<1x4x128xi32, #tpu.memory_space<hbm>> -> memref<4x128xi32, #tpu.memory_space<hbm>>
      tpu.wait_dma2 semaphore(%run_scoped3A : memref<!tpu.dma_semaphore, #tpu.memory_space<semaphore_mem>>) src(%dma_wait3A_96 : memref<4x128xi32, #tpu.memory_space<hbm>>) dst(%arg5 : memref<4x128xi32, #tpu.memory_space<vmem>>)
      tpu.yield
    }) : () -> ()
    %dma_start3A = arith.constant 0 : i32
    %dma_start3A_1 = arith.constant 0 : i32
    %dma_start3A_2 = arith.constant 0 : i32
    %dma_start3A_3 = tpu.memref_slice %arg6[%dma_start3A_1, %dma_start3A_2] : memref<512x32xf32, #tpu.memory_space<vmem>> -> memref<128x32xf32, #tpu.memory_space<vmem>>
    %dma_start3A_4 = arith.constant 0 : i32
    %dma_start3A_5 = tpu.memref_slice %arg5[%dma_start3A, %dma_start3A_4] : memref<4x128xi32, #tpu.memory_space<vmem>> -> memref<1x128xi32, #tpu.memory_space<vmem>>
    %dma_start3A_6 = tpu.memref_squeeze %dma_start3A_5 : memref<1x128xi32, #tpu.memory_space<vmem>> -> memref<128xi32, #tpu.memory_space<vmem>>
    %dma_start3A_7 = arith.constant 0 : i32
    %dma_start3A_8 = arith.constant 0 : i32
    %dma_start3A_9 = tpu.memref_slice %arg2[%dma_start3A_7, %dma_start3A_8] : memref<8192x32xf32, #tpu.memory_space<hbm>> -> memref<8192x32xf32, #tpu.memory_space<hbm>>
    tpu.enqueue_indirect_dma source(%dma_start3A_9 : memref<8192x32xf32, #tpu.memory_space<hbm>>) target(%dma_start3A_3 : memref<128x32xf32, #tpu.memory_space<vmem>>) offsets(%dma_start3A_6 : memref<128xi32, #tpu.memory_space<vmem>>) semaphore(%arg7 : memref<!tpu.dma_semaphore, #tpu.memory_space<semaphore_mem>>)
    %dma_start3A_10 = arith.constant 1 : i32
    %dma_start3A_11 = arith.constant 128 : i32
    %dma_start3A_12 = arith.constant 0 : i32
    %dma_start3A_13 = tpu.memref_slice %arg6[%dma_start3A_11, %dma_start3A_12] : memref<512x32xf32, #tpu.memory_space<vmem>> -> memref<128x32xf32, #tpu.memory_space<vmem>>
    %dma_start3A_14 = arith.constant 0 : i32
    %dma_start3A_15 = tpu.memref_slice %arg5[%dma_start3A_10, %dma_start3A_14] : memref<4x128xi32, #tpu.memory_space<vmem>> -> memref<1x128xi32, #tpu.memory_space<vmem>>
    %dma_start3A_16 = tpu.memref_squeeze %dma_start3A_15 : memref<1x128xi32, #tpu.memory_space<vmem>> -> memref<128xi32, #tpu.memory_space<vmem>>
    %dma_start3A_17 = arith.constant 0 : i32
    %dma_start3A_18 = arith.constant 0 : i32
    %dma_start3A_19 = tpu.memref_slice %arg2[%dma_start3A_17, %dma_start3A_18] : memref<8192x32xf32, #tpu.memory_space<hbm>> -> memref<8192x32xf32, #tpu.memory_space<hbm>>
    tpu.enqueue_indirect_dma source(%dma_start3A_19 : memref<8192x32xf32, #tpu.memory_space<hbm>>) target(%dma_start3A_13 : memref<128x32xf32, #tpu.memory_space<vmem>>) offsets(%dma_start3A_16 : memref<128xi32, #tpu.memory_space<vmem>>) semaphore(%arg7 : memref<!tpu.dma_semaphore, #tpu.memory_space<semaphore_mem>>)
    %dma_start3A_20 = arith.constant 2 : i32
    %dma_start3A_21 = arith.constant 256 : i32
    %dma_start3A_22 = arith.constant 0 : i32
    %dma_start3A_23 = tpu.memref_slice %arg6[%dma_start3A_21, %dma_start3A_22] : memref<512x32xf32, #tpu.memory_space<vmem>> -> memref<128x32xf32, #tpu.memory_space<vmem>>
    %dma_start3A_24 = arith.constant 0 : i32
    %dma_start3A_25 = tpu.memref_slice %arg5[%dma_start3A_20, %dma_start3A_24] : memref<4x128xi32, #tpu.memory_space<vmem>> -> memref<1x128xi32, #tpu.memory_space<vmem>>
    %dma_start3A_26 = tpu.memref_squeeze %dma_start3A_25 : memref<1x128xi32, #tpu.memory_space<vmem>> -> memref<128xi32, #tpu.memory_space<vmem>>
    %dma_start3A_27 = arith.constant 0 : i32
    %dma_start3A_28 = arith.constant 0 : i32
    %dma_start3A_29 = tpu.memref_slice %arg2[%dma_start3A_27, %dma_start3A_28] : memref<8192x32xf32, #tpu.memory_space<hbm>> -> memref<8192x32xf32, #tpu.memory_space<hbm>>
    tpu.enqueue_indirect_dma source(%dma_start3A_29 : memref<8192x32xf32, #tpu.memory_space<hbm>>) target(%dma_start3A_23 : memref<128x32xf32, #tpu.memory_space<vmem>>) offsets(%dma_start3A_26 : memref<128xi32, #tpu.memory_space<vmem>>) semaphore(%arg7 : memref<!tpu.dma_semaphore, #tpu.memory_space<semaphore_mem>>)
    %dma_start3A_30 = arith.constant 3 : i32
    %dma_start3A_31 = arith.constant 384 : i32
    %dma_start3A_32 = arith.constant 0 : i32
    %dma_start3A_33 = tpu.memref_slice %arg6[%dma_start3A_31, %dma_start3A_32] : memref<512x32xf32, #tpu.memory_space<vmem>> -> memref<128x32xf32, #tpu.memory_space<vmem>>
    %dma_start3A_34 = arith.constant 0 : i32
    %dma_start3A_35 = tpu.memref_slice %arg5[%dma_start3A_30, %dma_start3A_34] : memref<4x128xi32, #tpu.memory_space<vmem>> -> memref<1x128xi32, #tpu.memory_space<vmem>>
    %dma_start3A_36 = tpu.memref_squeeze %dma_start3A_35 : memref<1x128xi32, #tpu.memory_space<vmem>> -> memref<128xi32, #tpu.memory_space<vmem>>
    %dma_start3A_37 = arith.constant 0 : i32
    %dma_start3A_38 = arith.constant 0 : i32
    %dma_start3A_39 = tpu.memref_slice %arg2[%dma_start3A_37, %dma_start3A_38] : memref<8192x32xf32, #tpu.memory_space<hbm>> -> memref<8192x32xf32, #tpu.memory_space<hbm>>
    tpu.enqueue_indirect_dma source(%dma_start3A_39 : memref<8192x32xf32, #tpu.memory_space<hbm>>) target(%dma_start3A_33 : memref<128x32xf32, #tpu.memory_space<vmem>>) offsets(%dma_start3A_36 : memref<128xi32, #tpu.memory_space<vmem>>) semaphore(%arg7 : memref<!tpu.dma_semaphore, #tpu.memory_space<semaphore_mem>>)
    %dma_wait3A = arith.constant 0 : i32
    %dma_wait3A_40 = arith.constant 0 : i32
    %dma_wait3A_41 = arith.constant 0 : i32
    %dma_wait3A_42 = tpu.memref_slice %arg6[%dma_wait3A_40, %dma_wait3A_41] : memref<512x32xf32, #tpu.memory_space<vmem>> -> memref<128x32xf32, #tpu.memory_space<vmem>>
    %dma_wait3A_43 = arith.constant 0 : i32
    %dma_wait3A_44 = tpu.memref_slice %arg5[%dma_wait3A, %dma_wait3A_43] : memref<4x128xi32, #tpu.memory_space<vmem>> -> memref<1x128xi32, #tpu.memory_space<vmem>>
    %dma_wait3A_45 = tpu.memref_squeeze %dma_wait3A_44 : memref<1x128xi32, #tpu.memory_space<vmem>> -> memref<128xi32, #tpu.memory_space<vmem>>
    %dma_wait3A_46 = arith.constant 0 : i32
    %dma_wait3A_47 = arith.constant 0 : i32
    %dma_wait3A_48 = tpu.memref_slice %arg2[%dma_wait3A_46, %dma_wait3A_47] : memref<8192x32xf32, #tpu.memory_space<hbm>> -> memref<8192x32xf32, #tpu.memory_space<hbm>>
    tpu.wait_indirect_dma semaphore(%arg7 : memref<!tpu.dma_semaphore, #tpu.memory_space<semaphore_mem>>) src(%dma_wait3A_48 : memref<8192x32xf32, #tpu.memory_space<hbm>>) dst(%dma_wait3A_42 : memref<128x32xf32, #tpu.memory_space<vmem>>)
    %dma_wait3A_49 = arith.constant 1 : i32
    %dma_wait3A_50 = arith.constant 128 : i32
    %dma_wait3A_51 = arith.constant 0 : i32
    %dma_wait3A_52 = tpu.memref_slice %arg6[%dma_wait3A_50, %dma_wait3A_51] : memref<512x32xf32, #tpu.memory_space<vmem>> -> memref<128x32xf32, #tpu.memory_space<vmem>>
    %dma_wait3A_53 = arith.constant 0 : i32
    %dma_wait3A_54 = tpu.memref_slice %arg5[%dma_wait3A_49, %dma_wait3A_53] : memref<4x128xi32, #tpu.memory_space<vmem>> -> memref<1x128xi32, #tpu.memory_space<vmem>>
    %dma_wait3A_55 = tpu.memref_squeeze %dma_wait3A_54 : memref<1x128xi32, #tpu.memory_space<vmem>> -> memref<128xi32, #tpu.memory_space<vmem>>
    %dma_wait3A_56 = arith.constant 0 : i32
    %dma_wait3A_57 = arith.constant 0 : i32
    %dma_wait3A_58 = tpu.memref_slice %arg2[%dma_wait3A_56, %dma_wait3A_57] : memref<8192x32xf32, #tpu.memory_space<hbm>> -> memref<8192x32xf32, #tpu.memory_space<hbm>>
    tpu.wait_indirect_dma semaphore(%arg7 : memref<!tpu.dma_semaphore, #tpu.memory_space<semaphore_mem>>) src(%dma_wait3A_58 : memref<8192x32xf32, #tpu.memory_space<hbm>>) dst(%dma_wait3A_52 : memref<128x32xf32, #tpu.memory_space<vmem>>)
    %dma_wait3A_59 = arith.constant 2 : i32
    %dma_wait3A_60 = arith.constant 256 : i32
    %dma_wait3A_61 = arith.constant 0 : i32
    %dma_wait3A_62 = tpu.memref_slice %arg6[%dma_wait3A_60, %dma_wait3A_61] : memref<512x32xf32, #tpu.memory_space<vmem>> -> memref<128x32xf32, #tpu.memory_space<vmem>>
    %dma_wait3A_63 = arith.constant 0 : i32
    %dma_wait3A_64 = tpu.memref_slice %arg5[%dma_wait3A_59, %dma_wait3A_63] : memref<4x128xi32, #tpu.memory_space<vmem>> -> memref<1x128xi32, #tpu.memory_space<vmem>>
    %dma_wait3A_65 = tpu.memref_squeeze %dma_wait3A_64 : memref<1x128xi32, #tpu.memory_space<vmem>> -> memref<128xi32, #tpu.memory_space<vmem>>
    %dma_wait3A_66 = arith.constant 0 : i32
    %dma_wait3A_67 = arith.constant 0 : i32
    %dma_wait3A_68 = tpu.memref_slice %arg2[%dma_wait3A_66, %dma_wait3A_67] : memref<8192x32xf32, #tpu.memory_space<hbm>> -> memref<8192x32xf32, #tpu.memory_space<hbm>>
    tpu.wait_indirect_dma semaphore(%arg7 : memref<!tpu.dma_semaphore, #tpu.memory_space<semaphore_mem>>) src(%dma_wait3A_68 : memref<8192x32xf32, #tpu.memory_space<hbm>>) dst(%dma_wait3A_62 : memref<128x32xf32, #tpu.memory_space<vmem>>)
    %dma_wait3A_69 = arith.constant 3 : i32
    %dma_wait3A_70 = arith.constant 384 : i32
    %dma_wait3A_71 = arith.constant 0 : i32
    %dma_wait3A_72 = tpu.memref_slice %arg6[%dma_wait3A_70, %dma_wait3A_71] : memref<512x32xf32, #tpu.memory_space<vmem>> -> memref<128x32xf32, #tpu.memory_space<vmem>>
    %dma_wait3A_73 = arith.constant 0 : i32
    %dma_wait3A_74 = tpu.memref_slice %arg5[%dma_wait3A_69, %dma_wait3A_73] : memref<4x128xi32, #tpu.memory_space<vmem>> -> memref<1x128xi32, #tpu.memory_space<vmem>>
    %dma_wait3A_75 = tpu.memref_squeeze %dma_wait3A_74 : memref<1x128xi32, #tpu.memory_space<vmem>> -> memref<128xi32, #tpu.memory_space<vmem>>
    %dma_wait3A_76 = arith.constant 0 : i32
    %dma_wait3A_77 = arith.constant 0 : i32
    %dma_wait3A_78 = tpu.memref_slice %arg2[%dma_wait3A_76, %dma_wait3A_77] : memref<8192x32xf32, #tpu.memory_space<hbm>> -> memref<8192x32xf32, #tpu.memory_space<hbm>>
    tpu.wait_indirect_dma semaphore(%arg7 : memref<!tpu.dma_semaphore, #tpu.memory_space<semaphore_mem>>) src(%dma_wait3A_78 : memref<8192x32xf32, #tpu.memory_space<hbm>>) dst(%dma_wait3A_72 : memref<128x32xf32, #tpu.memory_space<vmem>>)
    %mul3A_79 = arith.constant 512 : i32
    %mul3A_80 = arith.muli %add3A, %mul3A_79 : i32
    "tpu.region"() ({
      %run_scoped3A = tpu.sem_alloc : memref<!tpu.dma_semaphore, #tpu.memory_space<semaphore_mem>>
      %dma_start3A_81 = arith.constant 0 : i32
      %dma_start3A_82 = tpu.memref_slice %arg4[%mul3A_80, %dma_start3A_81] : memref<16384x32xf32, #tpu.memory_space<hbm>> -> memref<512x32xf32, #tpu.memory_space<hbm>>
      %dma_start3A_83 = arith.constant 0 : i32
      %dma_start3A_84 = tpu.memref_slice %arg4[%mul3A_80, %dma_start3A_83] : memref<16384x32xf32, #tpu.memory_space<hbm>> -> memref<512x32xf32, #tpu.memory_space<hbm>>
      tpu.enqueue_dma source(%arg6 : memref<512x32xf32, #tpu.memory_space<vmem>>) target(%dma_start3A_84 : memref<512x32xf32, #tpu.memory_space<hbm>>) target_semaphore(%run_scoped3A : memref<!tpu.dma_semaphore, #tpu.memory_space<semaphore_mem>>)
      %dma_wait3A_85 = arith.constant 0 : i32
      %dma_wait3A_86 = tpu.memref_slice %arg4[%mul3A_80, %dma_wait3A_85] : memref<16384x32xf32, #tpu.memory_space<hbm>> -> memref<512x32xf32, #tpu.memory_space<hbm>>
      %dma_wait3A_87 = arith.constant 0 : i32
      %dma_wait3A_88 = tpu.memref_slice %arg4[%mul3A_80, %dma_wait3A_87] : memref<16384x32xf32, #tpu.memory_space<hbm>> -> memref<512x32xf32, #tpu.memory_space<hbm>>
      tpu.wait_dma2 semaphore(%run_scoped3A : memref<!tpu.dma_semaphore, #tpu.memory_space<semaphore_mem>>) src(%arg6 : memref<512x32xf32, #tpu.memory_space<vmem>>) dst(%dma_wait3A_88 : memref<512x32xf32, #tpu.memory_space<hbm>>)
      tpu.yield
    }) : () -> ()
    return
  }
}

module attributes {stable_mosaic.version = 14 : i64} {
  func.func @_tc_body(%arg0: i32, %arg1: memref<256x32xbf16, #tpu.memory_space<vmem>>, %arg2: memref<8192x32xf32, #tpu.memory_space<vmem>>, %arg3: memref<1x256xf32, #tpu.memory_space<vmem>>, %arg4: memref<8192x1xf32, #tpu.memory_space<vmem>>, %arg5: memref<1x1x256xi32, #tpu.memory_space<vmem>>, %arg6: memref<1x1xf32, #tpu.memory_space<vmem>>) attributes {dimension_semantics = [#tpu.dimension_semantics<arbitrary>], iteration_bounds = array<i64: 64>, scalar_prefetch = 0 : i64, scratch_operands = 0 : i64, tpu.core_type = #tpu.core_type<tc>, window_params = [{transform_indices = @transform_0, window_bounds = array<i64: 256, 32>}, {pipeline_mode = #tpu.pipeline_mode<synchronous>, transform_indices = @transform_1, window_bounds = array<i64: 8192, 32>}, {transform_indices = @transform_2, window_bounds = array<i64: 1, 256>}, {pipeline_mode = #tpu.pipeline_mode<synchronous>, transform_indices = @transform_3, window_bounds = array<i64: 8192, 1>}, {transform_indices = @transform_4, window_bounds = array<i64: 1, 1, 256>}, {pipeline_mode = #tpu.pipeline_mode<synchronous>, transform_indices = @transform_5, window_bounds = array<i64: 1, 1>}]} {
    %get3A = arith.constant 0 : index
    %get3A_0 = arith.constant 0 : index
    %get3A_1 = vector.load %arg1[%get3A, %get3A_0] : memref<256x32xbf16, #tpu.memory_space<vmem>>, vector<256x32xbf16>
    %get3A_2 = arith.constant 0 : index
    %get3A_3 = arith.constant 0 : index
    %get3A_4 = vector.load %arg3[%get3A_2, %get3A_3] : memref<1x256xf32, #tpu.memory_space<vmem>>, vector<1x256xf32>
    %broadcast_in_dim3A = arith.constant 0x7F800000 : f32
    %broadcast_in_dim3A_5 = vector.broadcast %broadcast_in_dim3A : f32 to vector<1x256xf32>
    %broadcast_in_dim3A_6 = arith.constant 0 : i32
    %broadcast_in_dim3A_7 = vector.broadcast %broadcast_in_dim3A_6 : i32 to vector<1x256xi32>
    %get3A_8 = arith.constant 0 : index
    %get3A_9 = arith.constant 0 : index
    %get3A_10 = vector.load %arg2[%get3A_8, %get3A_9] : memref<8192x32xf32, #tpu.memory_space<vmem>>, vector<1024x32xf32>
    %get3A_11 = arith.constant 0 : index
    %get3A_12 = arith.constant 0 : index
    %get3A_13 = vector.load %arg4[%get3A_11, %get3A_12] : memref<8192x1xf32, #tpu.memory_space<vmem>>, vector<1024x1xf32>
    %dot_general3A = arith.constant dense<0.000000e+00> : vector<1024x256xf32>
    %dot_general3A_14 = tpu.matmul %get3A_10, %get3A_1, %dot_general3A {dimension_numbers = #tpu.dot_dimension_numbers<[1], [1], [0], [0], [0, 0, 1, 0], [], []>, transpose_lhs_hint = false} : vector<1024x32xf32>, vector<256x32xbf16>, vector<1024x256xf32> -> vector<1024x256xf32>
    %add3A = vector.broadcast %get3A_13 : vector<1024x1xf32> to vector<1024x256xf32>
    %add3A_15 = vector.broadcast %get3A_4 : vector<1x256xf32> to vector<1024x256xf32>
    %add3A_16 = arith.addf %add3A, %add3A_15 : vector<1024x256xf32>
    %sub3A = arith.subf %add3A_16, %dot_general3A_14 : vector<1024x256xf32>
    %max3A = arith.constant 0.000000e+00 : f32
    %max3A_17 = vector.broadcast %max3A : f32 to vector<1024x256xf32>
    %max3A_18 = arith.maximumf %sub3A, %max3A_17 : vector<1024x256xf32>
    %sqrt3A = math.sqrt %max3A_18 : vector<1024x256xf32>
    %reduce_min3A = arith.constant dense<0x7F800000> : vector<256xf32>
    %reduce_min3A_19 = vector.multi_reduction <minimumf>, %sqrt3A, %reduce_min3A [0] : vector<1024x256xf32> to vector<256xf32>
    %broadcast_in_dim3A_20 = vector.shape_cast %reduce_min3A_19 : vector<256xf32> to vector<1x256xf32>
    %iota3A = tpu.iota {dimensions = array<i32: 0>} : vector<1024x256xi32>
    %eq3A = vector.broadcast %broadcast_in_dim3A_20 : vector<1x256xf32> to vector<1024x256xf32>
    %eq3A_21 = arith.cmpf oeq, %sqrt3A, %eq3A : vector<1024x256xf32>
    %jit3A = arith.constant 1024 : i32
    %broadcast_in_dim3A_22 = vector.broadcast %jit3A : i32 to vector<1024x256xi32>
    %select_n3A = arith.select %eq3A_21, %iota3A, %broadcast_in_dim3A_22 : vector<1024x256xi1>, vector<1024x256xi32>
    %reduce_min3A_23 = arith.constant dense<2147483647> : vector<256xi32>
    %reduce_min3A_24 = vector.multi_reduction <minsi>, %select_n3A, %reduce_min3A_23 [0] : vector<1024x256xi32> to vector<256xi32>
    %broadcast_in_dim3A_25 = vector.shape_cast %reduce_min3A_24 : vector<256xi32> to vector<1x256xi32>
    %add3A_26 = arith.constant 0 : i32
    %add3A_27 = vector.broadcast %add3A_26 : i32 to vector<1x256xi32>
    %add3A_28 = arith.addi %broadcast_in_dim3A_25, %add3A_27 : vector<1x256xi32>
    %lt3A = arith.cmpf olt, %broadcast_in_dim3A_20, %broadcast_in_dim3A_5 : vector<1x256xf32>
    %select_n3A_29 = arith.select %lt3A, %add3A_28, %broadcast_in_dim3A_7 : vector<1x256xi1>, vector<1x256xi32>
    %select_n3A_30 = arith.select %lt3A, %broadcast_in_dim3A_20, %broadcast_in_dim3A_5 : vector<1x256xi1>, vector<1x256xf32>
    %get3A_31 = arith.constant 1024 : index
    %get3A_32 = arith.constant 0 : index
    %get3A_33 = vector.load %arg2[%get3A_31, %get3A_32] : memref<8192x32xf32, #tpu.memory_space<vmem>>, vector<1024x32xf32>
    %get3A_34 = arith.constant 1024 : index
    %get3A_35 = arith.constant 0 : index
    %get3A_36 = vector.load %arg4[%get3A_34, %get3A_35] : memref<8192x1xf32, #tpu.memory_space<vmem>>, vector<1024x1xf32>
    %dot_general3A_37 = arith.constant dense<0.000000e+00> : vector<1024x256xf32>
    %dot_general3A_38 = tpu.matmul %get3A_33, %get3A_1, %dot_general3A_37 {dimension_numbers = #tpu.dot_dimension_numbers<[1], [1], [0], [0], [0, 0, 1, 0], [], []>, transpose_lhs_hint = false} : vector<1024x32xf32>, vector<256x32xbf16>, vector<1024x256xf32> -> vector<1024x256xf32>
    %add3A_39 = vector.broadcast %get3A_36 : vector<1024x1xf32> to vector<1024x256xf32>
    %add3A_40 = vector.broadcast %get3A_4 : vector<1x256xf32> to vector<1024x256xf32>
    %add3A_41 = arith.addf %add3A_39, %add3A_40 : vector<1024x256xf32>
    %sub3A_42 = arith.subf %add3A_41, %dot_general3A_38 : vector<1024x256xf32>
    %max3A_43 = arith.constant 0.000000e+00 : f32
    %max3A_44 = vector.broadcast %max3A_43 : f32 to vector<1024x256xf32>
    %max3A_45 = arith.maximumf %sub3A_42, %max3A_44 : vector<1024x256xf32>
    %sqrt3A_46 = math.sqrt %max3A_45 : vector<1024x256xf32>
    %reduce_min3A_47 = arith.constant dense<0x7F800000> : vector<256xf32>
    %reduce_min3A_48 = vector.multi_reduction <minimumf>, %sqrt3A_46, %reduce_min3A_47 [0] : vector<1024x256xf32> to vector<256xf32>
    %broadcast_in_dim3A_49 = vector.shape_cast %reduce_min3A_48 : vector<256xf32> to vector<1x256xf32>
    %iota3A_50 = tpu.iota {dimensions = array<i32: 0>} : vector<1024x256xi32>
    %eq3A_51 = vector.broadcast %broadcast_in_dim3A_49 : vector<1x256xf32> to vector<1024x256xf32>
    %eq3A_52 = arith.cmpf oeq, %sqrt3A_46, %eq3A_51 : vector<1024x256xf32>
    %jit3A_53 = arith.constant 1024 : i32
    %broadcast_in_dim3A_54 = vector.broadcast %jit3A_53 : i32 to vector<1024x256xi32>
    %select_n3A_55 = arith.select %eq3A_52, %iota3A_50, %broadcast_in_dim3A_54 : vector<1024x256xi1>, vector<1024x256xi32>
    %reduce_min3A_56 = arith.constant dense<2147483647> : vector<256xi32>
    %reduce_min3A_57 = vector.multi_reduction <minsi>, %select_n3A_55, %reduce_min3A_56 [0] : vector<1024x256xi32> to vector<256xi32>
    %broadcast_in_dim3A_58 = vector.shape_cast %reduce_min3A_57 : vector<256xi32> to vector<1x256xi32>
    %add3A_59 = arith.constant 1024 : i32
    %add3A_60 = vector.broadcast %add3A_59 : i32 to vector<1x256xi32>
    %add3A_61 = arith.addi %broadcast_in_dim3A_58, %add3A_60 : vector<1x256xi32>
    %lt3A_62 = arith.cmpf olt, %broadcast_in_dim3A_49, %select_n3A_30 : vector<1x256xf32>
    %select_n3A_63 = arith.select %lt3A_62, %add3A_61, %select_n3A_29 : vector<1x256xi1>, vector<1x256xi32>
    %select_n3A_64 = arith.select %lt3A_62, %broadcast_in_dim3A_49, %select_n3A_30 : vector<1x256xi1>, vector<1x256xf32>
    %get3A_65 = arith.constant 2048 : index
    %get3A_66 = arith.constant 0 : index
    %get3A_67 = vector.load %arg2[%get3A_65, %get3A_66] : memref<8192x32xf32, #tpu.memory_space<vmem>>, vector<1024x32xf32>
    %get3A_68 = arith.constant 2048 : index
    %get3A_69 = arith.constant 0 : index
    %get3A_70 = vector.load %arg4[%get3A_68, %get3A_69] : memref<8192x1xf32, #tpu.memory_space<vmem>>, vector<1024x1xf32>
    %dot_general3A_71 = arith.constant dense<0.000000e+00> : vector<1024x256xf32>
    %dot_general3A_72 = tpu.matmul %get3A_67, %get3A_1, %dot_general3A_71 {dimension_numbers = #tpu.dot_dimension_numbers<[1], [1], [0], [0], [0, 0, 1, 0], [], []>, transpose_lhs_hint = false} : vector<1024x32xf32>, vector<256x32xbf16>, vector<1024x256xf32> -> vector<1024x256xf32>
    %add3A_73 = vector.broadcast %get3A_70 : vector<1024x1xf32> to vector<1024x256xf32>
    %add3A_74 = vector.broadcast %get3A_4 : vector<1x256xf32> to vector<1024x256xf32>
    %add3A_75 = arith.addf %add3A_73, %add3A_74 : vector<1024x256xf32>
    %sub3A_76 = arith.subf %add3A_75, %dot_general3A_72 : vector<1024x256xf32>
    %max3A_77 = arith.constant 0.000000e+00 : f32
    %max3A_78 = vector.broadcast %max3A_77 : f32 to vector<1024x256xf32>
    %max3A_79 = arith.maximumf %sub3A_76, %max3A_78 : vector<1024x256xf32>
    %sqrt3A_80 = math.sqrt %max3A_79 : vector<1024x256xf32>
    %reduce_min3A_81 = arith.constant dense<0x7F800000> : vector<256xf32>
    %reduce_min3A_82 = vector.multi_reduction <minimumf>, %sqrt3A_80, %reduce_min3A_81 [0] : vector<1024x256xf32> to vector<256xf32>
    %broadcast_in_dim3A_83 = vector.shape_cast %reduce_min3A_82 : vector<256xf32> to vector<1x256xf32>
    %iota3A_84 = tpu.iota {dimensions = array<i32: 0>} : vector<1024x256xi32>
    %eq3A_85 = vector.broadcast %broadcast_in_dim3A_83 : vector<1x256xf32> to vector<1024x256xf32>
    %eq3A_86 = arith.cmpf oeq, %sqrt3A_80, %eq3A_85 : vector<1024x256xf32>
    %jit3A_87 = arith.constant 1024 : i32
    %broadcast_in_dim3A_88 = vector.broadcast %jit3A_87 : i32 to vector<1024x256xi32>
    %select_n3A_89 = arith.select %eq3A_86, %iota3A_84, %broadcast_in_dim3A_88 : vector<1024x256xi1>, vector<1024x256xi32>
    %reduce_min3A_90 = arith.constant dense<2147483647> : vector<256xi32>
    %reduce_min3A_91 = vector.multi_reduction <minsi>, %select_n3A_89, %reduce_min3A_90 [0] : vector<1024x256xi32> to vector<256xi32>
    %broadcast_in_dim3A_92 = vector.shape_cast %reduce_min3A_91 : vector<256xi32> to vector<1x256xi32>
    %add3A_93 = arith.constant 2048 : i32
    %add3A_94 = vector.broadcast %add3A_93 : i32 to vector<1x256xi32>
    %add3A_95 = arith.addi %broadcast_in_dim3A_92, %add3A_94 : vector<1x256xi32>
    %lt3A_96 = arith.cmpf olt, %broadcast_in_dim3A_83, %select_n3A_64 : vector<1x256xf32>
    %select_n3A_97 = arith.select %lt3A_96, %add3A_95, %select_n3A_63 : vector<1x256xi1>, vector<1x256xi32>
    %select_n3A_98 = arith.select %lt3A_96, %broadcast_in_dim3A_83, %select_n3A_64 : vector<1x256xi1>, vector<1x256xf32>
    %get3A_99 = arith.constant 3072 : index
    %get3A_100 = arith.constant 0 : index
    %get3A_101 = vector.load %arg2[%get3A_99, %get3A_100] : memref<8192x32xf32, #tpu.memory_space<vmem>>, vector<1024x32xf32>
    %get3A_102 = arith.constant 3072 : index
    %get3A_103 = arith.constant 0 : index
    %get3A_104 = vector.load %arg4[%get3A_102, %get3A_103] : memref<8192x1xf32, #tpu.memory_space<vmem>>, vector<1024x1xf32>
    %dot_general3A_105 = arith.constant dense<0.000000e+00> : vector<1024x256xf32>
    %dot_general3A_106 = tpu.matmul %get3A_101, %get3A_1, %dot_general3A_105 {dimension_numbers = #tpu.dot_dimension_numbers<[1], [1], [0], [0], [0, 0, 1, 0], [], []>, transpose_lhs_hint = false} : vector<1024x32xf32>, vector<256x32xbf16>, vector<1024x256xf32> -> vector<1024x256xf32>
    %add3A_107 = vector.broadcast %get3A_104 : vector<1024x1xf32> to vector<1024x256xf32>
    %add3A_108 = vector.broadcast %get3A_4 : vector<1x256xf32> to vector<1024x256xf32>
    %add3A_109 = arith.addf %add3A_107, %add3A_108 : vector<1024x256xf32>
    %sub3A_110 = arith.subf %add3A_109, %dot_general3A_106 : vector<1024x256xf32>
    %max3A_111 = arith.constant 0.000000e+00 : f32
    %max3A_112 = vector.broadcast %max3A_111 : f32 to vector<1024x256xf32>
    %max3A_113 = arith.maximumf %sub3A_110, %max3A_112 : vector<1024x256xf32>
    %sqrt3A_114 = math.sqrt %max3A_113 : vector<1024x256xf32>
    %reduce_min3A_115 = arith.constant dense<0x7F800000> : vector<256xf32>
    %reduce_min3A_116 = vector.multi_reduction <minimumf>, %sqrt3A_114, %reduce_min3A_115 [0] : vector<1024x256xf32> to vector<256xf32>
    %broadcast_in_dim3A_117 = vector.shape_cast %reduce_min3A_116 : vector<256xf32> to vector<1x256xf32>
    %iota3A_118 = tpu.iota {dimensions = array<i32: 0>} : vector<1024x256xi32>
    %eq3A_119 = vector.broadcast %broadcast_in_dim3A_117 : vector<1x256xf32> to vector<1024x256xf32>
    %eq3A_120 = arith.cmpf oeq, %sqrt3A_114, %eq3A_119 : vector<1024x256xf32>
    %jit3A_121 = arith.constant 1024 : i32
    %broadcast_in_dim3A_122 = vector.broadcast %jit3A_121 : i32 to vector<1024x256xi32>
    %select_n3A_123 = arith.select %eq3A_120, %iota3A_118, %broadcast_in_dim3A_122 : vector<1024x256xi1>, vector<1024x256xi32>
    %reduce_min3A_124 = arith.constant dense<2147483647> : vector<256xi32>
    %reduce_min3A_125 = vector.multi_reduction <minsi>, %select_n3A_123, %reduce_min3A_124 [0] : vector<1024x256xi32> to vector<256xi32>
    %broadcast_in_dim3A_126 = vector.shape_cast %reduce_min3A_125 : vector<256xi32> to vector<1x256xi32>
    %add3A_127 = arith.constant 3072 : i32
    %add3A_128 = vector.broadcast %add3A_127 : i32 to vector<1x256xi32>
    %add3A_129 = arith.addi %broadcast_in_dim3A_126, %add3A_128 : vector<1x256xi32>
    %lt3A_130 = arith.cmpf olt, %broadcast_in_dim3A_117, %select_n3A_98 : vector<1x256xf32>
    %select_n3A_131 = arith.select %lt3A_130, %add3A_129, %select_n3A_97 : vector<1x256xi1>, vector<1x256xi32>
    %select_n3A_132 = arith.select %lt3A_130, %broadcast_in_dim3A_117, %select_n3A_98 : vector<1x256xi1>, vector<1x256xf32>
    %get3A_133 = arith.constant 4096 : index
    %get3A_134 = arith.constant 0 : index
    %get3A_135 = vector.load %arg2[%get3A_133, %get3A_134] : memref<8192x32xf32, #tpu.memory_space<vmem>>, vector<1024x32xf32>
    %get3A_136 = arith.constant 4096 : index
    %get3A_137 = arith.constant 0 : index
    %get3A_138 = vector.load %arg4[%get3A_136, %get3A_137] : memref<8192x1xf32, #tpu.memory_space<vmem>>, vector<1024x1xf32>
    %dot_general3A_139 = arith.constant dense<0.000000e+00> : vector<1024x256xf32>
    %dot_general3A_140 = tpu.matmul %get3A_135, %get3A_1, %dot_general3A_139 {dimension_numbers = #tpu.dot_dimension_numbers<[1], [1], [0], [0], [0, 0, 1, 0], [], []>, transpose_lhs_hint = false} : vector<1024x32xf32>, vector<256x32xbf16>, vector<1024x256xf32> -> vector<1024x256xf32>
    %add3A_141 = vector.broadcast %get3A_138 : vector<1024x1xf32> to vector<1024x256xf32>
    %add3A_142 = vector.broadcast %get3A_4 : vector<1x256xf32> to vector<1024x256xf32>
    %add3A_143 = arith.addf %add3A_141, %add3A_142 : vector<1024x256xf32>
    %sub3A_144 = arith.subf %add3A_143, %dot_general3A_140 : vector<1024x256xf32>
    %max3A_145 = arith.constant 0.000000e+00 : f32
    %max3A_146 = vector.broadcast %max3A_145 : f32 to vector<1024x256xf32>
    %max3A_147 = arith.maximumf %sub3A_144, %max3A_146 : vector<1024x256xf32>
    %sqrt3A_148 = math.sqrt %max3A_147 : vector<1024x256xf32>
    %reduce_min3A_149 = arith.constant dense<0x7F800000> : vector<256xf32>
    %reduce_min3A_150 = vector.multi_reduction <minimumf>, %sqrt3A_148, %reduce_min3A_149 [0] : vector<1024x256xf32> to vector<256xf32>
    %broadcast_in_dim3A_151 = vector.shape_cast %reduce_min3A_150 : vector<256xf32> to vector<1x256xf32>
    %iota3A_152 = tpu.iota {dimensions = array<i32: 0>} : vector<1024x256xi32>
    %eq3A_153 = vector.broadcast %broadcast_in_dim3A_151 : vector<1x256xf32> to vector<1024x256xf32>
    %eq3A_154 = arith.cmpf oeq, %sqrt3A_148, %eq3A_153 : vector<1024x256xf32>
    %jit3A_155 = arith.constant 1024 : i32
    %broadcast_in_dim3A_156 = vector.broadcast %jit3A_155 : i32 to vector<1024x256xi32>
    %select_n3A_157 = arith.select %eq3A_154, %iota3A_152, %broadcast_in_dim3A_156 : vector<1024x256xi1>, vector<1024x256xi32>
    %reduce_min3A_158 = arith.constant dense<2147483647> : vector<256xi32>
    %reduce_min3A_159 = vector.multi_reduction <minsi>, %select_n3A_157, %reduce_min3A_158 [0] : vector<1024x256xi32> to vector<256xi32>
    %broadcast_in_dim3A_160 = vector.shape_cast %reduce_min3A_159 : vector<256xi32> to vector<1x256xi32>
    %add3A_161 = arith.constant 4096 : i32
    %add3A_162 = vector.broadcast %add3A_161 : i32 to vector<1x256xi32>
    %add3A_163 = arith.addi %broadcast_in_dim3A_160, %add3A_162 : vector<1x256xi32>
    %lt3A_164 = arith.cmpf olt, %broadcast_in_dim3A_151, %select_n3A_132 : vector<1x256xf32>
    %select_n3A_165 = arith.select %lt3A_164, %add3A_163, %select_n3A_131 : vector<1x256xi1>, vector<1x256xi32>
    %select_n3A_166 = arith.select %lt3A_164, %broadcast_in_dim3A_151, %select_n3A_132 : vector<1x256xi1>, vector<1x256xf32>
    %get3A_167 = arith.constant 5120 : index
    %get3A_168 = arith.constant 0 : index
    %get3A_169 = vector.load %arg2[%get3A_167, %get3A_168] : memref<8192x32xf32, #tpu.memory_space<vmem>>, vector<1024x32xf32>
    %get3A_170 = arith.constant 5120 : index
    %get3A_171 = arith.constant 0 : index
    %get3A_172 = vector.load %arg4[%get3A_170, %get3A_171] : memref<8192x1xf32, #tpu.memory_space<vmem>>, vector<1024x1xf32>
    %dot_general3A_173 = arith.constant dense<0.000000e+00> : vector<1024x256xf32>
    %dot_general3A_174 = tpu.matmul %get3A_169, %get3A_1, %dot_general3A_173 {dimension_numbers = #tpu.dot_dimension_numbers<[1], [1], [0], [0], [0, 0, 1, 0], [], []>, transpose_lhs_hint = false} : vector<1024x32xf32>, vector<256x32xbf16>, vector<1024x256xf32> -> vector<1024x256xf32>
    %add3A_175 = vector.broadcast %get3A_172 : vector<1024x1xf32> to vector<1024x256xf32>
    %add3A_176 = vector.broadcast %get3A_4 : vector<1x256xf32> to vector<1024x256xf32>
    %add3A_177 = arith.addf %add3A_175, %add3A_176 : vector<1024x256xf32>
    %sub3A_178 = arith.subf %add3A_177, %dot_general3A_174 : vector<1024x256xf32>
    %max3A_179 = arith.constant 0.000000e+00 : f32
    %max3A_180 = vector.broadcast %max3A_179 : f32 to vector<1024x256xf32>
    %max3A_181 = arith.maximumf %sub3A_178, %max3A_180 : vector<1024x256xf32>
    %sqrt3A_182 = math.sqrt %max3A_181 : vector<1024x256xf32>
    %reduce_min3A_183 = arith.constant dense<0x7F800000> : vector<256xf32>
    %reduce_min3A_184 = vector.multi_reduction <minimumf>, %sqrt3A_182, %reduce_min3A_183 [0] : vector<1024x256xf32> to vector<256xf32>
    %broadcast_in_dim3A_185 = vector.shape_cast %reduce_min3A_184 : vector<256xf32> to vector<1x256xf32>
    %iota3A_186 = tpu.iota {dimensions = array<i32: 0>} : vector<1024x256xi32>
    %eq3A_187 = vector.broadcast %broadcast_in_dim3A_185 : vector<1x256xf32> to vector<1024x256xf32>
    %eq3A_188 = arith.cmpf oeq, %sqrt3A_182, %eq3A_187 : vector<1024x256xf32>
    %jit3A_189 = arith.constant 1024 : i32
    %broadcast_in_dim3A_190 = vector.broadcast %jit3A_189 : i32 to vector<1024x256xi32>
    %select_n3A_191 = arith.select %eq3A_188, %iota3A_186, %broadcast_in_dim3A_190 : vector<1024x256xi1>, vector<1024x256xi32>
    %reduce_min3A_192 = arith.constant dense<2147483647> : vector<256xi32>
    %reduce_min3A_193 = vector.multi_reduction <minsi>, %select_n3A_191, %reduce_min3A_192 [0] : vector<1024x256xi32> to vector<256xi32>
    %broadcast_in_dim3A_194 = vector.shape_cast %reduce_min3A_193 : vector<256xi32> to vector<1x256xi32>
    %add3A_195 = arith.constant 5120 : i32
    %add3A_196 = vector.broadcast %add3A_195 : i32 to vector<1x256xi32>
    %add3A_197 = arith.addi %broadcast_in_dim3A_194, %add3A_196 : vector<1x256xi32>
    %lt3A_198 = arith.cmpf olt, %broadcast_in_dim3A_185, %select_n3A_166 : vector<1x256xf32>
    %select_n3A_199 = arith.select %lt3A_198, %add3A_197, %select_n3A_165 : vector<1x256xi1>, vector<1x256xi32>
    %select_n3A_200 = arith.select %lt3A_198, %broadcast_in_dim3A_185, %select_n3A_166 : vector<1x256xi1>, vector<1x256xf32>
    %get3A_201 = arith.constant 6144 : index
    %get3A_202 = arith.constant 0 : index
    %get3A_203 = vector.load %arg2[%get3A_201, %get3A_202] : memref<8192x32xf32, #tpu.memory_space<vmem>>, vector<1024x32xf32>
    %get3A_204 = arith.constant 6144 : index
    %get3A_205 = arith.constant 0 : index
    %get3A_206 = vector.load %arg4[%get3A_204, %get3A_205] : memref<8192x1xf32, #tpu.memory_space<vmem>>, vector<1024x1xf32>
    %dot_general3A_207 = arith.constant dense<0.000000e+00> : vector<1024x256xf32>
    %dot_general3A_208 = tpu.matmul %get3A_203, %get3A_1, %dot_general3A_207 {dimension_numbers = #tpu.dot_dimension_numbers<[1], [1], [0], [0], [0, 0, 1, 0], [], []>, transpose_lhs_hint = false} : vector<1024x32xf32>, vector<256x32xbf16>, vector<1024x256xf32> -> vector<1024x256xf32>
    %add3A_209 = vector.broadcast %get3A_206 : vector<1024x1xf32> to vector<1024x256xf32>
    %add3A_210 = vector.broadcast %get3A_4 : vector<1x256xf32> to vector<1024x256xf32>
    %add3A_211 = arith.addf %add3A_209, %add3A_210 : vector<1024x256xf32>
    %sub3A_212 = arith.subf %add3A_211, %dot_general3A_208 : vector<1024x256xf32>
    %max3A_213 = arith.constant 0.000000e+00 : f32
    %max3A_214 = vector.broadcast %max3A_213 : f32 to vector<1024x256xf32>
    %max3A_215 = arith.maximumf %sub3A_212, %max3A_214 : vector<1024x256xf32>
    %sqrt3A_216 = math.sqrt %max3A_215 : vector<1024x256xf32>
    %reduce_min3A_217 = arith.constant dense<0x7F800000> : vector<256xf32>
    %reduce_min3A_218 = vector.multi_reduction <minimumf>, %sqrt3A_216, %reduce_min3A_217 [0] : vector<1024x256xf32> to vector<256xf32>
    %broadcast_in_dim3A_219 = vector.shape_cast %reduce_min3A_218 : vector<256xf32> to vector<1x256xf32>
    %iota3A_220 = tpu.iota {dimensions = array<i32: 0>} : vector<1024x256xi32>
    %eq3A_221 = vector.broadcast %broadcast_in_dim3A_219 : vector<1x256xf32> to vector<1024x256xf32>
    %eq3A_222 = arith.cmpf oeq, %sqrt3A_216, %eq3A_221 : vector<1024x256xf32>
    %jit3A_223 = arith.constant 1024 : i32
    %broadcast_in_dim3A_224 = vector.broadcast %jit3A_223 : i32 to vector<1024x256xi32>
    %select_n3A_225 = arith.select %eq3A_222, %iota3A_220, %broadcast_in_dim3A_224 : vector<1024x256xi1>, vector<1024x256xi32>
    %reduce_min3A_226 = arith.constant dense<2147483647> : vector<256xi32>
    %reduce_min3A_227 = vector.multi_reduction <minsi>, %select_n3A_225, %reduce_min3A_226 [0] : vector<1024x256xi32> to vector<256xi32>
    %broadcast_in_dim3A_228 = vector.shape_cast %reduce_min3A_227 : vector<256xi32> to vector<1x256xi32>
    %add3A_229 = arith.constant 6144 : i32
    %add3A_230 = vector.broadcast %add3A_229 : i32 to vector<1x256xi32>
    %add3A_231 = arith.addi %broadcast_in_dim3A_228, %add3A_230 : vector<1x256xi32>
    %lt3A_232 = arith.cmpf olt, %broadcast_in_dim3A_219, %select_n3A_200 : vector<1x256xf32>
    %select_n3A_233 = arith.select %lt3A_232, %add3A_231, %select_n3A_199 : vector<1x256xi1>, vector<1x256xi32>
    %select_n3A_234 = arith.select %lt3A_232, %broadcast_in_dim3A_219, %select_n3A_200 : vector<1x256xi1>, vector<1x256xf32>
    %get3A_235 = arith.constant 7168 : index
    %get3A_236 = arith.constant 0 : index
    %get3A_237 = vector.load %arg2[%get3A_235, %get3A_236] : memref<8192x32xf32, #tpu.memory_space<vmem>>, vector<1024x32xf32>
    %get3A_238 = arith.constant 7168 : index
    %get3A_239 = arith.constant 0 : index
    %get3A_240 = vector.load %arg4[%get3A_238, %get3A_239] : memref<8192x1xf32, #tpu.memory_space<vmem>>, vector<1024x1xf32>
    %dot_general3A_241 = arith.constant dense<0.000000e+00> : vector<1024x256xf32>
    %dot_general3A_242 = tpu.matmul %get3A_237, %get3A_1, %dot_general3A_241 {dimension_numbers = #tpu.dot_dimension_numbers<[1], [1], [0], [0], [0, 0, 1, 0], [], []>, transpose_lhs_hint = false} : vector<1024x32xf32>, vector<256x32xbf16>, vector<1024x256xf32> -> vector<1024x256xf32>
    %add3A_243 = vector.broadcast %get3A_240 : vector<1024x1xf32> to vector<1024x256xf32>
    %add3A_244 = vector.broadcast %get3A_4 : vector<1x256xf32> to vector<1024x256xf32>
    %add3A_245 = arith.addf %add3A_243, %add3A_244 : vector<1024x256xf32>
    %sub3A_246 = arith.subf %add3A_245, %dot_general3A_242 : vector<1024x256xf32>
    %max3A_247 = arith.constant 0.000000e+00 : f32
    %max3A_248 = vector.broadcast %max3A_247 : f32 to vector<1024x256xf32>
    %max3A_249 = arith.maximumf %sub3A_246, %max3A_248 : vector<1024x256xf32>
    %sqrt3A_250 = math.sqrt %max3A_249 : vector<1024x256xf32>
    %reduce_min3A_251 = arith.constant dense<0x7F800000> : vector<256xf32>
    %reduce_min3A_252 = vector.multi_reduction <minimumf>, %sqrt3A_250, %reduce_min3A_251 [0] : vector<1024x256xf32> to vector<256xf32>
    %broadcast_in_dim3A_253 = vector.shape_cast %reduce_min3A_252 : vector<256xf32> to vector<1x256xf32>
    %iota3A_254 = tpu.iota {dimensions = array<i32: 0>} : vector<1024x256xi32>
    %eq3A_255 = vector.broadcast %broadcast_in_dim3A_253 : vector<1x256xf32> to vector<1024x256xf32>
    %eq3A_256 = arith.cmpf oeq, %sqrt3A_250, %eq3A_255 : vector<1024x256xf32>
    %jit3A_257 = arith.constant 1024 : i32
    %broadcast_in_dim3A_258 = vector.broadcast %jit3A_257 : i32 to vector<1024x256xi32>
    %select_n3A_259 = arith.select %eq3A_256, %iota3A_254, %broadcast_in_dim3A_258 : vector<1024x256xi1>, vector<1024x256xi32>
    %reduce_min3A_260 = arith.constant dense<2147483647> : vector<256xi32>
    %reduce_min3A_261 = vector.multi_reduction <minsi>, %select_n3A_259, %reduce_min3A_260 [0] : vector<1024x256xi32> to vector<256xi32>
    %broadcast_in_dim3A_262 = vector.shape_cast %reduce_min3A_261 : vector<256xi32> to vector<1x256xi32>
    %add3A_263 = arith.constant 7168 : i32
    %add3A_264 = vector.broadcast %add3A_263 : i32 to vector<1x256xi32>
    %add3A_265 = arith.addi %broadcast_in_dim3A_262, %add3A_264 : vector<1x256xi32>
    %lt3A_266 = arith.cmpf olt, %broadcast_in_dim3A_253, %select_n3A_234 : vector<1x256xf32>
    %select_n3A_267 = arith.select %lt3A_266, %add3A_265, %select_n3A_233 : vector<1x256xi1>, vector<1x256xi32>
    %select_n3A_268 = arith.select %lt3A_266, %broadcast_in_dim3A_253, %select_n3A_234 : vector<1x256xi1>, vector<1x256xf32>
    %swap3A = arith.constant 0 : index
    %swap3A_269 = arith.constant 0 : index
    %swap3A_270 = arith.constant 0 : index
    %swap3A_271 = vector.load %arg5[%swap3A, %swap3A_269, %swap3A_270] : memref<1x1x256xi32, #tpu.memory_space<vmem>>, vector<1x1x256xi32>
    %swap3A_272 = vector.shape_cast %swap3A_271 : vector<1x1x256xi32> to vector<1x256xi32>
    %swap3A_273 = vector.shape_cast %select_n3A_267 : vector<1x256xi32> to vector<1x1x256xi32>
    tpu.vector_store %arg5[%swap3A, %swap3A_269, %swap3A_270], %swap3A_273 {strides = array<i32>} : memref<1x1x256xi32, #tpu.memory_space<vmem>>, vector<1x1x256xi32>,
    %eq3A_274 = arith.constant 0 : i32
    %eq3A_275 = arith.cmpi eq, %arg0, %eq3A_274 : i32
    %convert_element_type3A = arith.extui %eq3A_275 : i1 to i32
    %cond3A = arith.constant 0 : i32
    %cond3A_276 = arith.cmpi ne, %convert_element_type3A, %cond3A : i32
    scf.if %cond3A_276 {
      %broadcast_in_dim3A_288 = arith.constant 0.000000e+00 : f32
      %broadcast_in_dim3A_289 = vector.broadcast %broadcast_in_dim3A_288 : f32 to vector<1x1xf32>
      %swap3A_290 = arith.constant 0 : index
      %swap3A_291 = arith.constant 0 : index
      %swap3A_292 = vector.load %arg6[%swap3A_290, %swap3A_291] : memref<1x1xf32, #tpu.memory_space<vmem>>, vector<1x1xf32>
      tpu.vector_store %arg6[%swap3A_290, %swap3A_291], %broadcast_in_dim3A_289 {strides = array<i32>} : memref<1x1xf32, #tpu.memory_space<vmem>>, vector<1x1xf32>,
    } else {
    }
    %get3A_277 = arith.constant 0 : index
    %get3A_278 = arith.constant 0 : index
    %get3A_279 = vector.load %arg6[%get3A_277, %get3A_278] : memref<1x1xf32, #tpu.memory_space<vmem>>, vector<1x1xf32>
    %mul3A = arith.mulf %select_n3A_268, %select_n3A_268 : vector<1x256xf32>
    %reduce_sum3A = vector.shape_cast %mul3A : vector<1x256xf32> to vector<1x1x256xf32>
    %reduce_sum3A_280 = arith.constant dense<0.000000e+00> : vector<1xf32>
    %reduce_sum3A_281 = vector.multi_reduction <add>, %reduce_sum3A, %reduce_sum3A_280 [1, 2] : vector<1x1x256xf32> to vector<1xf32>
    %reduce_sum3A_282 = vector.shape_cast %reduce_sum3A_281 : vector<1xf32> to vector<1x1x1xf32>
    %reduce_sum3A_283 = vector.extract %reduce_sum3A_282[0, 0, 0] : f32 from vector<1x1x1xf32>
    %reshape3A = vector.broadcast %reduce_sum3A_283 : f32 to vector<1x1xf32>
    %add3A_284 = arith.addf %get3A_279, %reshape3A : vector<1x1xf32>
    %swap3A_285 = arith.constant 0 : index
    %swap3A_286 = arith.constant 0 : index
    %swap3A_287 = vector.load %arg6[%swap3A_285, %swap3A_286] : memref<1x1xf32, #tpu.memory_space<vmem>>, vector<1x1xf32>
    tpu.vector_store %arg6[%swap3A_285, %swap3A_286], %add3A_284 {strides = array<i32>} : memref<1x1xf32, #tpu.memory_space<vmem>>, vector<1x1xf32>,
    return
  }
  func.func @transform_0(%arg0: i32) -> (i32, i32) {
    %c0_i32 = arith.constant 0 : i32
    %c0_i32_0 = arith.constant 0 : i32
    return %arg0, %c0_i32 : i32, i32
  }
  func.func @transform_1(%arg0: i32) -> (i32, i32) {
    %c0_i32 = arith.constant 0 : i32
    %c0_i32_0 = arith.constant 0 : i32
    %c0_i32_1 = arith.constant 0 : i32
    return %c0_i32, %c0_i32_0 : i32, i32
  }
  func.func @transform_2(%arg0: i32) -> (i32, i32) {
    %c0_i32 = arith.constant 0 : i32
    %c0_i32_0 = arith.constant 0 : i32
    return %c0_i32, %arg0 : i32, i32
  }
  func.func @transform_3(%arg0: i32) -> (i32, i32) {
    %c0_i32 = arith.constant 0 : i32
    %c0_i32_0 = arith.constant 0 : i32
    %c0_i32_1 = arith.constant 0 : i32
    return %c0_i32, %c0_i32_0 : i32, i32
  }
  func.func @transform_4(%arg0: i32) -> (i32, i32, i32) {
    %c0_i32 = arith.constant 0 : i32
    %c0_i32_0 = arith.constant 0 : i32
    %c0_i32_1 = arith.constant 0 : i32
    return %arg0, %c0_i32, %c0_i32_0 : i32, i32, i32
  }
  func.func @transform_5(%arg0: i32) -> (i32, i32) {
    %c0_i32 = arith.constant 0 : i32
    %c0_i32_0 = arith.constant 0 : i32
    %c0_i32_1 = arith.constant 0 : i32
    return %c0_i32, %c0_i32_0 : i32, i32
  }
}

</mosaic_0001>

<sc_bundles>
// kernel: kernel.4.cloned.1.call-start
scs
__scs_entry_jumppad:
0x0: {  	(pc) =	sbr.rel $0x88, $3  }
0x1: {  	(tag) =	ssettag $0x0;
	lr =	simm.s32 $0x1  }
0x2: {  	[smem:$0x3F9F] =	sst lr;
	_ =	strace $0xD0000000  }
0x3: {  	_ = 	snop  }
0x4: {  	_ = 	snop  }
0x5: {  	_ = 	snop  }
0x6: {  	_ = 	snop  }
0x7: {  	_ = 	snop  }
__scs_overlays_trampoline_lowered:
0x8: {  	[smem:$0x3FAE] =	sst s0  }
0x9: {  	[smem:$0x3FAF] =	sst s1  }
0xa: {  	[smem:$0x3FB0] =	sst s2  }
0xb: {  	[smem:$0x3FB1] =	sst s3  }
0xc: {  	[smem:$0x3FB2] =	sst s4  }
0xd: {  	[smem:$0x3FB3] =	sst s5  }
0xe: {  	[smem:$0x3FB4] =	sst s6  }
0xf: {  	[smem:$0x3FB5] =	sst s7  }
0x10: {  	[smem:$0x3FB6] =	sst s8  }
0x11: {  	[smem:$0x3FB7] =	sst s9;
	s0 =	simm.s32 @!p0 $0x0  }
0x12: {  	s1 =	sld [smem:$0x3F9D];
	s0 =	simm.s32 @p0 $0x1  }
0x13: {  	[smem:$0x3FB8] =	sst s0;
	s0 =	simm.s32 @!p1 $0x0  }
0x14: {  	s2 =	sld [smem:$0x3F9C];
	s0 =	simm.s32 @p1 $0x1  }
0x15: {  	[smem:$0x3FB9] =	sst s0;
	s0 =	simm.s32 @!p2 $0x0  }
0x16: {  	s3 =	sld [smem:$0x3FDB];
	s0 =	simm.s32 @p2 $0x1  }
0x17: {  	s4 =	simm.s32 $0x1BF5;
	[smem:$0x3FBB] =	sst s0  }
0x18: {  	s0 =	sld [smem:$0x3F9E];
	_ =	swait.ge [sflag:s4], $0x0  }
0x19: {  	s7 =	sld [smem:$0x3F9F]  }
0x1a: {  	s8 =	sadd.s32 $0xFFFFE003, lr  }
0x1b: {  	s9 =	sadd.s32 $0xFFFFFEF7, lr;
	s5 =	simm.s32 $0xFFFFFFFF;
	p2 =	slt.u32 s8, $0xFFFFF086  }
0x1c: {  	p1 =	slt.u32 s9, $0xF7A;
	s5 =	simm.s32 @!p2 $0x0  }
0x1d: {  	s5 =	simm.s32 @p1 $0x1;
	p0 =	seq.s32 s7, s2  }
0x1e: {  	s7 =	smul.u32 @!p0 $0xF7A, s2;
	p2 =	seq.s32 @!p0 s5, $0x0  }
0x1f: {  	s9 =	smul.u32 $0xF7A, s1;
	s8 =	simm.s32 @!p0 $0x1BF5;
	p2 =	por !p2, p0  }
0x20: {  	[sflag:s8] =	ssyncset.s32 @!p0 $0xFFFFF086;
	s6 =	sadd.s32 @!p0 s3, s7;
	s7 =	simm.s32 @!p0 $0x108  }
0x21: {  	s3 =	sadd.s32 s3, s9;
	s6 =	sadd.s32 @!p0 $0x88, s6;
	s7 =	simm.s32 @p2 $0x1082  }
0x22: {  	[simem:s7], [sflag:s8] =	dma.local @!p0 [hbm:s6], $0xF7A  }
0x23: {  	s9 =	sor.u32 $0xD0000000, s2;
	s6 =	simm.s32 $0x108;
	_ =	swait.ge @!p0 [sflag:s8], $0x0  }
0x24: {  	s3 =	sadd.s32 $0x88, s3;
	s6 =	simm.s32 @!p1 $0x1082;
	[sflag:s4] =	ssyncset.s32 $0xFFFFF086  }
0x25: {  	[simem:s6], [sflag:s4] =	dma.local [hbm:s3], $0xF7A  }
0x26: {  	[smem:$0x3F9F] =	sst s1;
	(tag) =	ssettag s2;
	_ =	strace s9  }
0x27: {  	s1 =	sld [smem:$0x3FAF]  }
0x28: {  	s2 =	sld [smem:$0x3FB0]  }
0x29: {  	s4 =	sld [smem:$0x3FB2]  }
0x2a: {  	p0 =	seq.s32 s5, $0x0;
	s5 =	sld [smem:$0x3FB3]  }
0x2b: {  	s6 =	sld [smem:$0x3FB4]  }
0x2c: {  	s7 =	sld [smem:$0x3FB5]  }
0x2d: {  	s3 =	simm.s32 $0x108;
	s8 =	sld [smem:$0x3FB6]  }
0x2e: {  	s3 =	simm.s32 @!p0 $0x1082;
	s9 =	sld [smem:$0x3FB7]  }
0x2f: {  	lr =	sadd.s32 s0, s3;
	s0 =	sld [smem:$0x3FAE]  }
0x30: {  	s3 =	sld [smem:$0x3FB1]  }
0x31: {  	[smem:$0x3FBA] =	sst s10  }
0x32: {  	s10 =	sld [smem:$0x3FB8];
	_ =	sdelay $0x3  }
0x33: {  	p0 =	seq.s32 s10, $0x1;
	s10 =	sld [smem:$0x3FBA];
	_ =	sdelay $0x3  }
0x34: {  	[smem:$0x3FBA] =	sst s10  }
0x35: {  	s10 =	sld [smem:$0x3FB9];
	_ =	sdelay $0x3  }
0x36: {  	p1 =	seq.s32 s10, $0x1;
	s10 =	sld [smem:$0x3FBA];
	_ =	sdelay $0x3  }
0x37: {  	[smem:$0x3FBA] =	sst s10  }
0x38: {  	s10 =	sld [smem:$0x3FBB]  }
0x39: {  	_ = 	snop;
	(pc) =	sbr.ind lr, $3  }
0x3a: {  	_ = 	snop  }
0x3b: {  	_ = 	snop  }
0x3c: {  	p2 =	seq.s32 s10, $0x1;
	s10 =	sld [smem:$0x3FBA]  }
0x3d: {  	_ =	shalt  }
0x3e: {  	_ =	shalt  }
0x3f: {  	_ =	shalt  }
0x40: {  	_ =	shalt  }
0x41: {  	_ =	shalt  }
0x42: {  	_ =	shalt  }
0x43: {  	_ =	shalt  }
0x44: {  	_ =	shalt  }
0x45: {  	_ =	shalt  }
0x46: {  	_ =	shalt  }
0x47: {  	_ =	shalt  }
0x48: {  	_ =	shalt  }
0x49: {  	_ =	shalt  }
0x4a: {  	_ =	shalt  }
0x4b: {  	_ =	shalt  }
0x4c: {  	_ =	shalt  }
0x4d: {  	_ =	shalt  }
0x4e: {  	_ =	shalt  }
0x4f: {  	_ =	shalt  }
0x50: {  	_ =	shalt  }
0x51: {  	_ =	shalt  }
0x52: {  	_ =	shalt  }
0x53: {  	_ =	shalt  }
0x54: {  	_ =	shalt  }
0x55: {  	_ =	shalt  }
0x56: {  	_ =	shalt  }
0x57: {  	_ =	shalt  }
0x58: {  	_ =	shalt  }
0x59: {  	_ =	shalt  }
0x5a: {  	_ =	shalt  }
0x5b: {  	_ =	shalt  }
0x5c: {  	_ =	shalt  }
0x5d: {  	_ =	shalt  }
0x5e: {  	_ =	shalt  }
0x5f: {  	_ =	shalt  }
0x60: {  	_ =	shalt  }
0x61: {  	_ =	shalt  }
0x62: {  	_ =	shalt  }
0x63: {  	_ =	shalt  }
0x64: {  	_ =	shalt  }
0x65: {  	_ =	shalt  }
0x66: {  	_ =	shalt  }
0x67: {  	_ =	shalt  }
0x68: {  	_ =	shalt  }
0x69: {  	_ =	shalt  }
0x6a: {  	_ =	shalt  }
0x6b: {  	_ =	shalt  }
0x6c: {  	_ =	shalt  }
0x6d: {  	_ =	shalt  }
0x6e: {  	_ =	shalt  }
0x6f: {  	_ =	shalt  }
0x70: {  	_ =	shalt  }
0x71: {  	_ =	shalt  }
0x72: {  	_ =	shalt  }
0x73: {  	_ =	shalt  }
0x74: {  	_ =	shalt  }
0x75: {  	_ =	shalt  }
0x76: {  	_ =	shalt  }
0x77: {  	_ =	shalt  }
0x78: {  	_ =	shalt  }
0x79: {  	_ =	shalt  }
0x7a: {  	_ =	shalt  }
0x7b: {  	_ =	shalt  }
0x7c: {  	_ =	shalt  }
0x7d: {  	_ =	shalt  }
0x7e: {  	_ =	shalt  }
0x7f: {  	_ =	shalt  }
0x80: {  	_ =	shalt  }
0x81: {  	_ =	shalt  }
0x82: {  	_ =	shalt  }
0x83: {  	_ =	shalt  }
0x84: {  	_ =	shalt  }
0x85: {  	_ =	shalt  }
0x86: {  	_ =	shalt  }
0x87: {  	_ =	shalt  }
.Lfunc_end0:
.L_simem_size_0:
called_computation_lowered:
.L_overlay_start_0:
0x88: {  	s2 =	sld [smem:$0x3FD9]  }
0x89: {  	s3 =	sld [smem:$0x3FFE];
	_ =	sdelay $0x1  }
0x8a: {  	s1 =	srdreg.scid  }
0x8b: {  	s0 =	sand.u32 $0x1, s1  }
0x8c: {  	s14 =	sshll.u32 s0, $0xA;
	s2 =	sadd.s32 s3, s2  }
0x8d: {  	s2 =	sadd.s32 s2, s14  }
0x8e: {  	[smem:$0x3FC6] =	sst s2  }
0x8f: {  	_ = 	snop  }
0x90: {  	s2 =	sld [smem:$0x3FD0];
	_ =	sdelay $0x2  }
0x91: {  	s15 =	simm.s32 $0xA;
	s4 =	simm.s32 $0x10  }
0x92: {  	[smem:s4], [sflag:s15] =	dma.local [hbm:s2], $0x1  }
0x93: {  	_ =	swait.eq [sflag:s15], $0x1  }
0x94: {  	[sflag:s15] =	ssyncset.done $0x0  }
0x95: {  	[sflag:s15] =	ssyncadd.s32 $0xFFFFFFFF  }
0x96: {  	s16 =	sld [smem:$0x11];
	(tm) =	ssettm $0x1  }
0x97: {  	s17 =	sld [smem:$0x3FFB];
	_ =	sdelay $0x3  }
0x98: {  	_ =	strace s17  }
0x99: {  	s3 =	sld [smem:$0x3FFC];
	_ =	sdelay $0x3  }
0x9a: {  	_ =	strace s3  }
0x9b: {  	s3 =	sld [smem:$0x3FFD];
	_ =	sdelay $0x3  }
0x9c: {  	_ =	strace s3  }
0x9d: {  	_ =	strace $0x8FFFFFFF  }
0x9e: {  	s18 =	sld [smem:$0x3FDB];
	_ =	sdelay $0x1  }
0x9f: {  	s19 =	simm.s32 $_scs_section_size  }
0xa0: {  	s5 =	simm.s32 $_size__tile_overlayer_lowered;
	s6 =	simm.s32 $_tile_overlayer_lowered  }
0xa1: {  	s22 =	simm.s32 $0x1BFF;
	s21 =	sshll.u32 s6, $0x1;
	s3 =	sadd.s32 s19, s18  }
0xa2: {  	s7 =	simm.s32 $0x0;
	s20 =	sshll.u32 s5, $0x1;
	s5 =	sadd.s32 s21, s3  }
0xa3: {  	[timem:s7], [sflag:s22] =	dma.local [hbm:s5], s20  }
0xa4: {  	_ =	swait.ge [sflag:s22], s20  }
0xa5: {  	s4 =	ssub.s32 $0x0, s20;
	[sflag:s22] =	ssyncset.done $0x0  }
0xa6: {  	[sflag:s22] =	ssyncadd.s32 s4;
	_ =	sdelay $0x1  }
0xa7: {  	s23 =	simm.s32 $0x1B8B  }
0xa8: {  	_ =	swait.ge [sflag:s23], $0x1  }
0xa9: {  	[sflag:s23] =	ssyncset.done $0x0  }
0xaa: {  	s25 =	simm.s32 $0x1B8E;
	s24 =	sld [smem:$0x3FFE];
	[sflag:s23] =	ssyncadd.s32 $0xFFFFFFFF  }
0xab: {  	s26 =	simm.s32 $execute0_lowered;
	[smem:$0x3FD2] =	sst s25  }
0xac: {  	s5 =	sshll.u32 s26, $0x1;
	_ =	strace $0x80000046;
	[dreg:$0x1] =	wrdreg $0xFFFFFFFF  }
0xad: {  	s28 =	simm.s32 $_size_execute0_lowered;
	s3 =	sadd.s32 s3, s5;
	[dreg:$0x0] =	wrdreg $0x0  }
0xae: {  	s5 =	sshll.u32 s28, $0x1;
	[dreg:$0x2] =	wrdreg s3  }
0xaf: {  	[dreg:$0x3] =	wrdreg s5  }
0xb0: {  	[dreg:$0x4] =	wrdreg $0xC0  }
0xb1: {  	_ =	task [dreg:s7], $0x5FFFF  }
0xb2: {  	[dreg:$0x1] =	wrdreg $0xFFFFFFFF  }
0xb3: {  	[dreg:$0x0] =	wrdreg $0x60  }
0xb4: {  	[dreg:$0x2] =	wrdreg s24  }
0xb5: {  	[dreg:$0x3] =	wrdreg s16  }
0xb6: {  	[dreg:$0x4] =	wrdreg $0x9  }
0xb7: {  	_ =	task.clear_ibuf [dreg:s7], $0x5FFFF;
	_ =	strace $0x90000046  }
0xb8: {  	s29 =	simm.s32 $0x9;
	_ =	strace $0x80000048  }
0xb9: {  	_ =	swait.ge [sflag:s29], $0x1  }
0xba: {  	[sflag:s29] =	ssyncadd.s32 $0xFFFFFFFF  }
0xbb: {  	_ =	strace $0x90000048  }
0xbc: {  	_ =	sfence  }
0xbd: {  	s30 =	sld [smem:$0x0];
	_ =	sdelay $0x2  }
0xbe: {  	s31 =	sshll.u32 s1, $0xD;
	s1 =	sshrl.u32 s1, $0x2  }
0xbf: {  	s3 =	sand.u32 $0x4000, s31;
	s1 =	sadd.s32 s1, s30  }
0xc0: {  	s0 =	sor.u32 s3, s0;
	s1 =	sshll.u32 s1, $0x11  }
0xc1: {  	s0 =	sor.u32 s1, s0  }
0xc2: {  	s0 =	sadd.s32 $0x8F2B, s0  }
0xc3: {  	[sflag:s0] =	ssyncadd.remote.s32 $0x1  }
0xc4: {  	_ =	sfence.sel $0xFFFF  }
0xc5: {  	[dreg:$0x0] =	wrdreg $0xFFFFFFFF;
	(pc) =	sbr.abs _section_cstart, $3  }
0xc6: {  	[dreg:$0x1] =	wrdreg $0xFFFFFFFF  }
0xc7: {  	_ =	task.clear_ibuf [dreg:s7], $0x2FFFF;
	_ =	strace $0x9FFFFFFF  }
0xc8: {  	(tm) =	ssettm $0x7FFFFFFF  }
0xc9: {  	_ =	shalt  }
tec
execute0_lowered:
.L_overlay_start_1:
0x0: {  	(tag) =	ssettag $0x1  }
0x1: {  	s1 =	srdreg.scid  }
0x2: {  	s0 =	stileid.u32;
	s14 =	sand.u32 $0x1, s1  }
0x3: {  	s2 =	rddreg [dreg:$0x0];
	s29 =	sshll.u32 s0, $0xA;
	s3 =	sshll.u32 s14, $0x9  }
0x4: {  	s15 =	rddreg [dreg:$0x1];
	s16 =	sor.u32 s3, s29  }
0x5: {  	s1 =	rddreg [dreg:$0x2];
	s3 =	simm.s32 $0x0;
	s4 =	sshrl.u32 s16, $0x3  }
0x6: {  	[smem:$0x7FF] =	sst s3;
	s4 =	sadd.s32 s4, s2  }
0x7: {  	_ =	strace $0x80000047;
	s5 =	sadd.s32 $0x8000, s4;
	s4 =	simm.s32 $0x2  }
0x8: {  	[tilespmem:s3], [sflag:$0x2] =	stream.linear.gather [hbm4b:s5+s3], $0x200, $0x38;
	[tilespmem:$0x4200] =	vst v63  }
0x9: {  	_ =	swait.ge [sflag:s4], $0x200  }
0xa: {  	[sflag:s4] =	ssyncset.done $0x0  }
0xb: {  	s6 =	simm.s32 $0x80;
	s7 =	simm.s32 $0x200;
	[sflag:s4] =	ssyncadd.s32 $0xFFFFFE00  }
0xc: {  	[tilespmem:s7], [sflag:$0x1] =	stream.indirect.gather [hbm4b:s2+s6], $0x20, s3, s6, $0xb8;
	[tilespmem:$0x4200] =	vst v63  }
0xd: {  	s8 =	simm.s32 $0x1200  }
0xe: {  	[tilespmem:s8], [sflag:$0x1] =	stream.indirect.gather [hbm4b:s2+s6], $0x20, s6, s6, $0xb8;
	[tilespmem:$0x4200] =	vst v63  }
0xf: {  	s9 =	simm.s32 $0x100;
	s10 =	simm.s32 $0x2200  }
0x10: {  	[tilespmem:s10], [sflag:$0x1] =	stream.indirect.gather [hbm4b:s2+s6], $0x20, s9, s6, $0xb8;
	[tilespmem:$0x4200] =	vst v63  }
0x11: {  	s11 =	simm.s32 $0x180;
	s12 =	simm.s32 $0x3200;
	s13 =	simm.s32 $0x1  }
0x12: {  	[tilespmem:s12], [sflag:$0x1] =	stream.indirect.gather [hbm4b:s2+s6], $0x20, s11, s6, $0xb8;
	[tilespmem:$0x4200] =	vst v63  }
0x13: {  	_ =	swait.ge [sflag:s13], $0x1000  }
0x14: {  	[sflag:s13] =	ssyncset.done $0x0  }
0x15: {  	[sflag:s13] =	ssyncadd.s32 $0xFFFFF000  }
0x16: {  	_ =	swait.ge [sflag:s13], $0x1000  }
0x17: {  	[sflag:s13] =	ssyncset.done $0x0  }
0x18: {  	s14 =	ssub.s32 $0x2, s14;
	[sflag:s13] =	ssyncadd.s32 $0xFFFFF000  }
0x19: {  	s17 =	sshrl.u32 s14, $0x1;
	_ =	swait.ge [sflag:s13], $0x1000  }
0x1a: {  	s17 =	ssub.s32 s14, s17;
	[sflag:s13] =	ssyncset.done $0x0  }
0x1b: {  	s31 =	smax.u32 s17, $0x1;
	[sflag:s13] =	ssyncadd.s32 $0xFFFFF000  }
0x1c: {  	p0 =	sne.s32 s31, $0x1;
	_ =	swait.ge [sflag:s13], $0x1000  }
.Ltmp0:
0x1d: {  	s30 =	sshll.u32 s16, $0x2;
	[sflag:s13] =	ssyncset.done $0x0;
	(pc) =	sbr.rel @!p0 .LBB2_2-.Ltmp0, $4  }
0x1e: {  	s14 =	sadd.s32 s15, s30;
	[sflag:s13] =	ssyncadd.s32 $0xFFFFF000  }
0x1f: {  	[hbm4b:s14+s3] =	stream.linear.scatter [tilespmem:s7], [sflag:$0x2], $0x4000, $0x38;
	[tilespmem:$0x4200] =	vst v63  }
0x20: {  	_ =	swait.ge [sflag:s4], $0x4000  }
0x21: {  	s15 =	sadd.s32 $0xFFFFFFFF, s31;
	[sflag:s4] =	ssyncset.done $0x0  }
.LBB2_1:
0x22: {  	p0 =	sne.s32 s15, $0x1;
	s15 =	sadd.s32 $0xFFFFFFFF, s15;
	[sflag:s4] =	ssyncadd.s32 $0xFFFFC000  }
0x23: {  	[tilespmem:s3], [sflag:$0x2] =	stream.linear.gather [hbm4b:s5+s3], $0x200, $0x38;
	[tilespmem:$0x4200] =	vst v63  }
0x24: {  	_ =	swait.ge [sflag:s4], $0x200  }
0x25: {  	[sflag:s4] =	ssyncset.done $0x0  }
0x26: {  	[sflag:s4] =	ssyncadd.s32 $0xFFFFFE00  }
0x27: {  	[tilespmem:s7], [sflag:$0x1] =	stream.indirect.gather [hbm4b:s2+s6], $0x20, s3, s6, $0xb8;
	[tilespmem:$0x4200] =	vst v63  }
0x28: {  	_ = 	snop  }
0x29: {  	[tilespmem:s8], [sflag:$0x1] =	stream.indirect.gather [hbm4b:s2+s6], $0x20, s6, s6, $0xb8;
	[tilespmem:$0x4200] =	vst v63  }
0x2a: {  	_ = 	snop  }
0x2b: {  	[tilespmem:s10], [sflag:$0x1] =	stream.indirect.gather [hbm4b:s2+s6], $0x20, s9, s6, $0xb8;
	[tilespmem:$0x4200] =	vst v63  }
0x2c: {  	_ = 	snop  }
0x2d: {  	[tilespmem:s12], [sflag:$0x1] =	stream.indirect.gather [hbm4b:s2+s6], $0x20, s11, s6, $0xb8;
	[tilespmem:$0x4200] =	vst v63  }
0x2e: {  	_ =	swait.ge [sflag:s13], $0x1000  }
0x2f: {  	[sflag:s13] =	ssyncset.done $0x0  }
0x30: {  	[sflag:s13] =	ssyncadd.s32 $0xFFFFF000  }
0x31: {  	_ =	swait.ge [sflag:s13], $0x1000  }
0x32: {  	[sflag:s13] =	ssyncset.done $0x0  }
0x33: {  	[sflag:s13] =	ssyncadd.s32 $0xFFFFF000  }
0x34: {  	_ =	swait.ge [sflag:s13], $0x1000  }
0x35: {  	[sflag:s13] =	ssyncset.done $0x0  }
0x36: {  	[sflag:s13] =	ssyncadd.s32 $0xFFFFF000  }
0x37: {  	_ =	swait.ge [sflag:s13], $0x1000  }
.Ltmp1:
0x38: {  	[sflag:s13] =	ssyncset.done $0x0;
	(pc) =	sbr.rel @p0 .LBB2_1-.Ltmp1, $4  }
0x39: {  	[sflag:s13] =	ssyncadd.s32 $0xFFFFF000  }
0x3a: {  	[hbm4b:s14+s3] =	stream.linear.scatter [tilespmem:s7], [sflag:$0x2], $0x4000, $0x38;
	[tilespmem:$0x4200] =	vst v63  }
0x3b: {  	_ =	swait.ge [sflag:s4], $0x4000  }
0x3c: {  	[sflag:s4] =	ssyncset.done $0x0  }
.LBB2_2:
0x3d: {  	[sflag:s4] =	ssyncadd.s32 $0xFFFFC000  }
0x3e: {  	_ =	sfence.sel $0x180000  }
0x3f: {  	[bflag:$0x0] =	sbarrier.arrive $0xFFFF  }
0x40: {  	p0 =	sne.s32 s0, $0x0;
	_ =	strace $0x90000047  }
0x41: {  	s0 =	sadd.s32 @!p0 $0x100000, s1;
	[bflag:$0x2] =	sbarrier.arrive $0xFFFF  }
0x42: {  	[sflag:s0] =	ssyncadd.tile.s32 @!p0 $0x1;
	_ =	shalt  }
.Lfunc_end2:
_tile_overlayer_lowered:
.L_overlay_start_2:
0x43: {  	(tag) =	ssettag $0x2  }
0x44: {  	s0 =	rddreg [dreg:$0x0];
	s2 =	stileid.u32  }
0x45: {  	s1 =	rddreg [dreg:$0x1];
	p0 =	sne.s32 s2, $0x0  }
0x46: {  	s3 =	rddreg [dreg:$0x2];
	[bflag:$0x3] =	sbarrier.arrive $0xFFFF;
	s2 =	simm.s32 @!p0 $0x1C02  }
0x47: {  	[timem:s3], [sflag:s2] =	dma.local @!p0 [hbm:s0], s1  }
0x48: {  	s0 =	simm.s32 @!p0 $0x2  }
0x49: {  	_ =	swait.ge @!p0 [sflag:s0], s1  }
0x4a: {  	s1 =	ssub.s32 @!p0 $0x0, s1;
	[sflag:s0] =	ssyncset.done @!p0 $0x0  }
0x4b: {  	[sflag:s0] =	ssyncadd.s32 @!p0 s1  }
0x4c: {  	[bflag:$0x3] =	sbarrier.arrive $0xFFFF  }
0x4d: {  	_ =	shalt  }

</sc_bundles>
